<compile_context>
chip_gen: v7x
topology: tpu7x:2x2x1
jax: 0.10.2.dev20260603
libtpu: 0.0.44.dev20260713+nightly
codegen_flags: <defaults>
</compile_context>

<pallas_src>
import functools

import jax
import jax.numpy as jnp
from jax import lax
from jax.experimental import pallas as pl
from jax.experimental.pallas import tpu as pltpu
from jax.experimental.pallas import tpu_sc as plsc

_N_E = 8192
_E_DIM = 64
_B = 4
_S = 32 * 32 * 8
_T = _B * _S

_TC = 1024
_NB = _S // _TC
_G = _T // _TC

_NC = 2
_NS = 16
_NW = _NC * _NS
_BPW = _T // _NW


_K_AUG = 80


def _prep_body(emb_ref, eaug_ref):
    e = emb_ref[...]
    e2 = jnp.sum(e * e, axis=1, keepdims=True)
    hi = e2.astype(jnp.bfloat16)
    r1 = e2 - hi.astype(jnp.float32)
    lo = r1.astype(jnp.bfloat16)
    lo2 = (r1 - lo.astype(jnp.float32)).astype(jnp.bfloat16)
    zpad = jnp.zeros((_N_E, _K_AUG - _E_DIM - 3), jnp.bfloat16)
    eaug_ref[...] = jnp.concatenate(
        [(-2.0 * e).astype(jnp.bfloat16), hi, lo, lo2, zpad], axis=1)


def _prep_eaug(embedding):
    return pl.pallas_call(
        _prep_body,
        out_shape=jax.ShapeDtypeStruct((_N_E, _K_AUG), jnp.bfloat16),
    )(embedding)


def _argmin_body(z_ref, eaug_ref, idx_ref, zaug_ref):
    @pl.when(pl.program_id(0) == 0)
    def _():
        zaug_ref[pl.ds(_E_DIM, _K_AUG - _E_DIM), :] = jnp.ones(
            (_K_AUG - _E_DIM, _TC), jnp.bfloat16)

    zaug_ref[pl.ds(0, _E_DIM), :] = z_ref[0].astype(jnp.bfloat16)
    scores = lax.dot_general(
        eaug_ref[...], zaug_ref[...], (((1,), (0,)), ((), ())),
        preferred_element_type=jnp.float32,
    )
    idx_ref[0, 0] = jnp.argmin(scores, axis=0).astype(jnp.int32)


def _tc_argmin(zt, embedding):
    b = zt.shape[0]
    g = b * _S // _TC
    eaug = _prep_eaug(embedding)
    return pl.pallas_call(
        _argmin_body,
        grid=(g,),
        in_specs=[
            pl.BlockSpec((1, _E_DIM, _TC), lambda i: (i // _NB, 0, i % _NB)),
            pl.BlockSpec((_N_E, _K_AUG), lambda i: (0, 0)),
        ],
        out_specs=pl.BlockSpec((1, 1, _TC), lambda i: (i, 0, 0)),
        out_shape=jax.ShapeDtypeStruct((g, 1, _TC), jnp.int32),
        scratch_shapes=[pltpu.VMEM((_K_AUG, _TC), jnp.bfloat16)],
        compiler_params=pltpu.CompilerParams(
            dimension_semantics=("parallel",),
        ),
    )(zt, eaug)


_D_PAD = 128
_CH_MAX = 512


@functools.cache
def _sc_gather_kernel(t_tokens):
    bpw = t_tokens // _NW
    nsub = max(1, bpw // _CH_MAX)
    ch = bpw // nsub

    @functools.partial(
        pl.kernel,
        mesh=plsc.VectorSubcoreMesh(core_axis_name="c", subcore_axis_name="s"),
        out_type=jax.ShapeDtypeStruct((t_tokens, _D_PAD), jnp.float32),
        scratch_types=[
            pltpu.VMEM((ch,), jnp.int32),
            pltpu.VMEM((ch, _D_PAD), jnp.float32),
            pltpu.SemaphoreType.DMA,
        ],
    )
    def _sc_gather(table_hbm, idx_hbm, out_hbm, idx_v, rows_v, sem):
        wid = lax.axis_index("s") * _NC + lax.axis_index("c")
        base = wid * bpw
        for j in range(nsub):
            pltpu.sync_copy(idx_hbm.at[pl.ds(base + j * ch, ch)], idx_v)
            pltpu.async_copy(table_hbm.at[idx_v], rows_v, sem).wait()
            pltpu.sync_copy(rows_v, out_hbm.at[pl.ds(base + j * ch, ch)])

    return _sc_gather


_NHALF = 1


def kernel(z, embedding):
    zt = z.reshape(_B, _E_DIM, _S)
    table = jnp.pad(embedding, ((0, 0), (0, _D_PAD - _E_DIM)))
    bh = _B // _NHALF
    idx_parts, zq_parts = [], []
    for h in range(_NHALF):
        zh = lax.slice_in_dim(zt, h * bh, (h + 1) * bh, axis=0)
        idx_h = _tc_argmin(zh, embedding).reshape(-1)
        zq_h = _sc_gather_kernel(bh * _S)(table, idx_h)[:, :_E_DIM]
        zq_h = zq_h.reshape(bh, _S, _E_DIM).transpose(0, 2, 1)
        zq_parts.append(zq_h.reshape((bh,) + z.shape[1:]))
        idx_parts.append(idx_h)
    z_q = zq_parts[0] if _NHALF == 1 else jnp.concatenate(zq_parts, axis=0)
    idx = idx_parts[0] if _NHALF == 1 else jnp.concatenate(idx_parts)
    zero = jnp.array(0.0, dtype=jnp.float32)
    return (z_q, (zero, zero, zero, zero), idx)

# --- scband reference (transcript-rebuilt; emitter-appended) ---
"""Pipeline reference for scband-fqemavector-quantizer-3624952398757 (READ-ONLY COPY).

The authoritative reference and input builder live on the scoring server;
editing this copy changes nothing except your own understanding.
"""

import jax, jax.numpy as jnp
import numpy as np

N_E = 8192
E_DIM = 64

def setup_inputs(seed: int = 0) -> dict:
    key = jax.random.key(seed)
    k1, k2 = jax.random.split(key)
    z = jax.random.normal(k1, (4, E_DIM, 32, 32, 8), dtype=jnp.float32)
    embedding = jax.random.normal(k2, (N_E, E_DIM), dtype=jnp.float32)
    return {"z": z, "embedding": embedding}

def reference(z, embedding):
    # b c h w d -> b h w d c
    zp = jnp.transpose(z, (0, 2, 3, 4, 1))
    z_flat = zp.reshape(-1, E_DIM)
    # squared euclidean distances to codebook
    d = (jnp.sum(z_flat ** 2, axis=1, keepdims=True)
         + jnp.sum(embedding ** 2, axis=1)
         - 2.0 * jnp.einsum('bd,nd->bn', z_flat, embedding))
    encoding_indices = jnp.argmin(d, axis=1)
    # quantize via codebook gather (== one_hot @ embedding)
    z_q = jnp.take(embedding, encoding_indices, axis=0)
    z_q = z_q.reshape(zp.shape)
    # straight-through estimator
    z_q = zp + jax.lax.stop_gradient(z_q - zp)
    # b h w d c -> b c h w d
    z_q = jnp.transpose(z_q, (0, 4, 1, 2, 3))
    vq_loss = jnp.array(0.0, dtype=jnp.float32)
    commit_loss = jnp.array(0.0, dtype=jnp.float32)
    entropy_loss = jnp.array(0.0, dtype=jnp.float32)
    codebook_usage = jnp.array(0.0, dtype=jnp.float32)  # eval mode
    return (z_q, (vq_loss, commit_loss, entropy_loss, codebook_usage), encoding_indices)

if __name__ == "__main__":
    import jax
    _d = setup_inputs()
    print(jax.jit(kernel)(*tuple(_d.values())))

</pallas_src>

<mosaic_0001>
#map = affine_map<(d0, d1) -> (0, 0)>
#map1 = affine_map<(d0, d1) -> (0)>
module attributes {stable_mosaic.version = 14 : i64} {
  func.func @_sc_gather(%arg0: i32, %arg1: i32, %arg2: memref<8192x128xf32, #tpu.memory_space<hbm>>, %arg3: memref<32768xi32, #tpu.memory_space<hbm>>, %arg4: memref<32768x128xf32, #tpu.memory_space<hbm>>, %arg5: memref<512xi32, #tpu.memory_space<vmem>>, %arg6: memref<512x128xf32, #tpu.memory_space<vmem>>, %arg7: memref<!tpu.dma_semaphore, #tpu.memory_space<semaphore_mem>>) attributes {dimension_semantics = [#tpu.dimension_semantics<core_parallel>, #tpu.dimension_semantics<subcore_parallel>], iteration_bounds = array<i64: 2, 16>, scalar_prefetch = 0 : i64, scratch_operands = 3 : i64, tpu.core_type = #tpu.core_type<sc_vector_subcore>, window_params = [{transform_indices = #map}, {transform_indices = #map1}, {transform_indices = #map}]} {
    %mul3A = arith.constant 2 : i32
    %mul3A_0 = arith.muli %arg1, %mul3A : i32
    %add3A = arith.addi %mul3A_0, %arg0 : i32
    %mul3A_1 = arith.constant 1024 : i32
    %mul3A_2 = arith.muli %add3A, %mul3A_1 : i32
    %add3A_3 = arith.constant 0 : i32
    %add3A_4 = arith.addi %mul3A_2, %add3A_3 : i32
    "tpu.region"() ({
      %run_scoped3A = tpu.sem_alloc : memref<!tpu.dma_semaphore, #tpu.memory_space<semaphore_mem>>
      %dma_start3A_21 = tpu.memref_slice %arg3[%add3A_4] : memref<32768xi32, #tpu.memory_space<hbm>> -> memref<512xi32, #tpu.memory_space<hbm>>
      %dma_start3A_22 = tpu.memref_slice %arg3[%add3A_4] : memref<32768xi32, #tpu.memory_space<hbm>> -> memref<512xi32, #tpu.memory_space<hbm>>
      tpu.enqueue_dma source(%dma_start3A_22 : memref<512xi32, #tpu.memory_space<hbm>>) target(%arg5 : memref<512xi32, #tpu.memory_space<vmem>>) target_semaphore(%run_scoped3A : memref<!tpu.dma_semaphore, #tpu.memory_space<semaphore_mem>>)
      %dma_wait3A_23 = tpu.memref_slice %arg3[%add3A_4] : memref<32768xi32, #tpu.memory_space<hbm>> -> memref<512xi32, #tpu.memory_space<hbm>>
      %dma_wait3A_24 = tpu.memref_slice %arg3[%add3A_4] : memref<32768xi32, #tpu.memory_space<hbm>> -> memref<512xi32, #tpu.memory_space<hbm>>
      tpu.wait_dma2 semaphore(%run_scoped3A : memref<!tpu.dma_semaphore, #tpu.memory_space<semaphore_mem>>) src(%dma_wait3A_24 : memref<512xi32, #tpu.memory_space<hbm>>) dst(%arg5 : memref<512xi32, #tpu.memory_space<vmem>>)
      tpu.yield
    }) : () -> ()
    %dma_start3A = arith.constant 0 : i32
    %dma_start3A_5 = arith.constant 0 : i32
    %dma_start3A_6 = tpu.memref_slice %arg2[%dma_start3A, %dma_start3A_5] : memref<8192x128xf32, #tpu.memory_space<hbm>> -> memref<8192x128xf32, #tpu.memory_space<hbm>>
    tpu.enqueue_indirect_dma source(%dma_start3A_6 : memref<8192x128xf32, #tpu.memory_space<hbm>>) target(%arg6 : memref<512x128xf32, #tpu.memory_space<vmem>>) offsets(%arg5 : memref<512xi32, #tpu.memory_space<vmem>>) semaphore(%arg7 : memref<!tpu.dma_semaphore, #tpu.memory_space<semaphore_mem>>)
    %dma_wait3A = arith.constant 0 : i32
    %dma_wait3A_7 = arith.constant 0 : i32
    %dma_wait3A_8 = tpu.memref_slice %arg2[%dma_wait3A, %dma_wait3A_7] : memref<8192x128xf32, #tpu.memory_space<hbm>> -> memref<8192x128xf32, #tpu.memory_space<hbm>>
    tpu.wait_indirect_dma semaphore(%arg7 : memref<!tpu.dma_semaphore, #tpu.memory_space<semaphore_mem>>) src(%dma_wait3A_8 : memref<8192x128xf32, #tpu.memory_space<hbm>>) dst(%arg6 : memref<512x128xf32, #tpu.memory_space<vmem>>)
    %add3A_9 = arith.constant 0 : i32
    %add3A_10 = arith.addi %mul3A_2, %add3A_9 : i32
    "tpu.region"() ({
      %run_scoped3A = tpu.sem_alloc : memref<!tpu.dma_semaphore, #tpu.memory_space<semaphore_mem>>
      %dma_start3A_21 = arith.constant 0 : i32
      %dma_start3A_22 = tpu.memref_slice %arg4[%add3A_10, %dma_start3A_21] : memref<32768x128xf32, #tpu.memory_space<hbm>> -> memref<512x128xf32, #tpu.memory_space<hbm>>
      %dma_start3A_23 = arith.constant 0 : i32
      %dma_start3A_24 = tpu.memref_slice %arg4[%add3A_10, %dma_start3A_23] : memref<32768x128xf32, #tpu.memory_space<hbm>> -> memref<512x128xf32, #tpu.memory_space<hbm>>
      tpu.enqueue_dma source(%arg6 : memref<512x128xf32, #tpu.memory_space<vmem>>) target(%dma_start3A_24 : memref<512x128xf32, #tpu.memory_space<hbm>>) target_semaphore(%run_scoped3A : memref<!tpu.dma_semaphore, #tpu.memory_space<semaphore_mem>>)
      %dma_wait3A_25 = arith.constant 0 : i32
      %dma_wait3A_26 = tpu.memref_slice %arg4[%add3A_10, %dma_wait3A_25] : memref<32768x128xf32, #tpu.memory_space<hbm>> -> memref<512x128xf32, #tpu.memory_space<hbm>>
      %dma_wait3A_27 = arith.constant 0 : i32
      %dma_wait3A_28 = tpu.memref_slice %arg4[%add3A_10, %dma_wait3A_27] : memref<32768x128xf32, #tpu.memory_space<hbm>> -> memref<512x128xf32, #tpu.memory_space<hbm>>
      tpu.wait_dma2 semaphore(%run_scoped3A : memref<!tpu.dma_semaphore, #tpu.memory_space<semaphore_mem>>) src(%arg6 : memref<512x128xf32, #tpu.memory_space<vmem>>) dst(%dma_wait3A_28 : memref<512x128xf32, #tpu.memory_space<hbm>>)
      tpu.yield
    }) : () -> ()
    %add3A_11 = arith.constant 512 : i32
    %add3A_12 = arith.addi %mul3A_2, %add3A_11 : i32
    "tpu.region"() ({
      %run_scoped3A = tpu.sem_alloc : memref<!tpu.dma_semaphore, #tpu.memory_space<semaphore_mem>>
      %dma_start3A_21 = tpu.memref_slice %arg3[%add3A_12] : memref<32768xi32, #tpu.memory_space<hbm>> -> memref<512xi32, #tpu.memory_space<hbm>>
      %dma_start3A_22 = tpu.memref_slice %arg3[%add3A_12] : memref<32768xi32, #tpu.memory_space<hbm>> -> memref<512xi32, #tpu.memory_space<hbm>>
      tpu.enqueue_dma source(%dma_start3A_22 : memref<512xi32, #tpu.memory_space<hbm>>) target(%arg5 : memref<512xi32, #tpu.memory_space<vmem>>) target_semaphore(%run_scoped3A : memref<!tpu.dma_semaphore, #tpu.memory_space<semaphore_mem>>)
      %dma_wait3A_23 = tpu.memref_slice %arg3[%add3A_12] : memref<32768xi32, #tpu.memory_space<hbm>> -> memref<512xi32, #tpu.memory_space<hbm>>
      %dma_wait3A_24 = tpu.memref_slice %arg3[%add3A_12] : memref<32768xi32, #tpu.memory_space<hbm>> -> memref<512xi32, #tpu.memory_space<hbm>>
      tpu.wait_dma2 semaphore(%run_scoped3A : memref<!tpu.dma_semaphore, #tpu.memory_space<semaphore_mem>>) src(%dma_wait3A_24 : memref<512xi32, #tpu.memory_space<hbm>>) dst(%arg5 : memref<512xi32, #tpu.memory_space<vmem>>)
      tpu.yield
    }) : () -> ()
    %dma_start3A_13 = arith.constant 0 : i32
    %dma_start3A_14 = arith.constant 0 : i32
    %dma_start3A_15 = tpu.memref_slice %arg2[%dma_start3A_13, %dma_start3A_14] : memref<8192x128xf32, #tpu.memory_space<hbm>> -> memref<8192x128xf32, #tpu.memory_space<hbm>>
    tpu.enqueue_indirect_dma source(%dma_start3A_15 : memref<8192x128xf32, #tpu.memory_space<hbm>>) target(%arg6 : memref<512x128xf32, #tpu.memory_space<vmem>>) offsets(%arg5 : memref<512xi32, #tpu.memory_space<vmem>>) semaphore(%arg7 : memref<!tpu.dma_semaphore, #tpu.memory_space<semaphore_mem>>)
    %dma_wait3A_16 = arith.constant 0 : i32
    %dma_wait3A_17 = arith.constant 0 : i32
    %dma_wait3A_18 = tpu.memref_slice %arg2[%dma_wait3A_16, %dma_wait3A_17] : memref<8192x128xf32, #tpu.memory_space<hbm>> -> memref<8192x128xf32, #tpu.memory_space<hbm>>
    tpu.wait_indirect_dma semaphore(%arg7 : memref<!tpu.dma_semaphore, #tpu.memory_space<semaphore_mem>>) src(%dma_wait3A_18 : memref<8192x128xf32, #tpu.memory_space<hbm>>) dst(%arg6 : memref<512x128xf32, #tpu.memory_space<vmem>>)
    %add3A_19 = arith.constant 512 : i32
    %add3A_20 = arith.addi %mul3A_2, %add3A_19 : i32
    "tpu.region"() ({
      %run_scoped3A = tpu.sem_alloc : memref<!tpu.dma_semaphore, #tpu.memory_space<semaphore_mem>>
      %dma_start3A_21 = arith.constant 0 : i32
      %dma_start3A_22 = tpu.memref_slice %arg4[%add3A_20, %dma_start3A_21] : memref<32768x128xf32, #tpu.memory_space<hbm>> -> memref<512x128xf32, #tpu.memory_space<hbm>>
      %dma_start3A_23 = arith.constant 0 : i32
      %dma_start3A_24 = tpu.memref_slice %arg4[%add3A_20, %dma_start3A_23] : memref<32768x128xf32, #tpu.memory_space<hbm>> -> memref<512x128xf32, #tpu.memory_space<hbm>>
      tpu.enqueue_dma source(%arg6 : memref<512x128xf32, #tpu.memory_space<vmem>>) target(%dma_start3A_24 : memref<512x128xf32, #tpu.memory_space<hbm>>) target_semaphore(%run_scoped3A : memref<!tpu.dma_semaphore, #tpu.memory_space<semaphore_mem>>)
      %dma_wait3A_25 = arith.constant 0 : i32
      %dma_wait3A_26 = tpu.memref_slice %arg4[%add3A_20, %dma_wait3A_25] : memref<32768x128xf32, #tpu.memory_space<hbm>> -> memref<512x128xf32, #tpu.memory_space<hbm>>
      %dma_wait3A_27 = arith.constant 0 : i32
      %dma_wait3A_28 = tpu.memref_slice %arg4[%add3A_20, %dma_wait3A_27] : memref<32768x128xf32, #tpu.memory_space<hbm>> -> memref<512x128xf32, #tpu.memory_space<hbm>>
      tpu.wait_dma2 semaphore(%run_scoped3A : memref<!tpu.dma_semaphore, #tpu.memory_space<semaphore_mem>>) src(%arg6 : memref<512x128xf32, #tpu.memory_space<vmem>>) dst(%dma_wait3A_28 : memref<512x128xf32, #tpu.memory_space<hbm>>)
      tpu.yield
    }) : () -> ()
    return
  }
}

module attributes {stable_mosaic.version = 14 : i64} {
  func.func @_prep_body(%arg0: memref<8192x64xf32, #tpu.memory_space<vmem>>, %arg1: memref<8192x80xbf16, #tpu.memory_space<vmem>>) attributes {dimension_semantics = [], scalar_prefetch = 0 : i64, scratch_operands = 0 : i64, tpu.core_type = #tpu.core_type<tc>} {
    %get3A = arith.constant 0 : index
    %get3A_0 = arith.constant 0 : index
    %get3A_1 = vector.load %arg0[%get3A, %get3A_0] : memref<8192x64xf32, #tpu.memory_space<vmem>>, vector<8192x64xf32>
    %mul3A = arith.mulf %get3A_1, %get3A_1 : vector<8192x64xf32>
    %reduce_sum3A = arith.constant dense<0.000000e+00> : vector<8192xf32>
    %reduce_sum3A_2 = vector.multi_reduction <add>, %mul3A, %reduce_sum3A [1] : vector<8192x64xf32> to vector<8192xf32>
    %broadcast_in_dim3A = vector.shape_cast %reduce_sum3A_2 : vector<8192xf32> to vector<8192x1xf32>
    %convert_element_type3A = arith.truncf %broadcast_in_dim3A : vector<8192x1xf32> to vector<8192x1xbf16>
    %convert_element_type3A_3 = arith.extf %convert_element_type3A : vector<8192x1xbf16> to vector<8192x1xf32>
    %sub3A = arith.subf %broadcast_in_dim3A, %convert_element_type3A_3 : vector<8192x1xf32>
    %convert_element_type3A_4 = arith.truncf %sub3A : vector<8192x1xf32> to vector<8192x1xbf16>
    %convert_element_type3A_5 = arith.extf %convert_element_type3A_4 : vector<8192x1xbf16> to vector<8192x1xf32>
    %sub3A_6 = arith.subf %sub3A, %convert_element_type3A_5 : vector<8192x1xf32>
    %convert_element_type3A_7 = arith.truncf %sub3A_6 : vector<8192x1xf32> to vector<8192x1xbf16>
    %broadcast_in_dim3A_8 = arith.constant 0.000000e+00 : bf16
    %broadcast_in_dim3A_9 = vector.broadcast %broadcast_in_dim3A_8 : bf16 to vector<8192x13xbf16>
    %mul3A_10 = arith.constant -2.000000e+00 : f32
    %mul3A_11 = vector.broadcast %mul3A_10 : f32 to vector<8192x64xf32>
    %mul3A_12 = arith.mulf %mul3A_11, %get3A_1 : vector<8192x64xf32>
    %convert_element_type3A_13 = arith.truncf %mul3A_12 : vector<8192x64xf32> to vector<8192x64xbf16>
    %concatenate3A = tpu.concatenate %convert_element_type3A_13, %convert_element_type3A, %convert_element_type3A_4, %convert_element_type3A_7, %broadcast_in_dim3A_9 in 1 : vector<8192x64xbf16>, vector<8192x1xbf16>, vector<8192x1xbf16>, vector<8192x1xbf16>, vector<8192x13xbf16> -> vector<8192x80xbf16>
    %swap3A = arith.constant 0 : index
    %swap3A_14 = arith.constant 0 : index
    %swap3A_15 = vector.load %arg1[%swap3A, %swap3A_14] : memref<8192x80xbf16, #tpu.memory_space<vmem>>, vector<8192x80xbf16>
    tpu.vector_store %arg1[%swap3A, %swap3A_14], %concatenate3A {strides = array<i32>} : memref<8192x80xbf16, #tpu.memory_space<vmem>>, vector<8192x80xbf16>,
    return
  }
}

module attributes {stable_mosaic.version = 14 : i64} {
  func.func @_argmin_body(%arg0: i32, %arg1: memref<1x64x1024xf32, #tpu.memory_space<vmem>>, %arg2: memref<8192x80xbf16, #tpu.memory_space<vmem>>, %arg3: memref<1x1x1024xi32, #tpu.memory_space<vmem>>, %arg4: memref<80x1024xbf16, #tpu.memory_space<vmem>>) attributes {dimension_semantics = [#tpu.dimension_semantics<parallel>], iteration_bounds = array<i64: 32>, scalar_prefetch = 0 : i64, scratch_operands = 1 : i64, tpu.core_type = #tpu.core_type<tc>, window_params = [{transform_indices = @transform_0, window_bounds = array<i64: 1, 64, 1024>}, {pipeline_mode = #tpu.pipeline_mode<synchronous>, transform_indices = @transform_1, window_bounds = array<i64: 8192, 80>}, {transform_indices = @transform_2, window_bounds = array<i64: 1, 1, 1024>}]} {
    %eq3A = arith.constant 0 : i32
    %eq3A_0 = arith.cmpi eq, %arg0, %eq3A : i32
    %convert_element_type3A = arith.extui %eq3A_0 : i1 to i32
    %cond3A = arith.constant 0 : i32
    %cond3A_1 = arith.cmpi ne, %convert_element_type3A, %cond3A : i32
    scf.if %cond3A_1 {
      %broadcast_in_dim3A = arith.constant 1.000000e+00 : bf16
      %broadcast_in_dim3A_22 = vector.broadcast %broadcast_in_dim3A : bf16 to vector<16x1024xbf16>
      %swap3A_23 = arith.constant 64 : index
      %swap3A_24 = arith.constant 0 : index
      %swap3A_25 = vector.load %arg4[%swap3A_23, %swap3A_24] : memref<80x1024xbf16, #tpu.memory_space<vmem>>, vector<16x1024xbf16>
      tpu.vector_store %arg4[%swap3A_23, %swap3A_24], %broadcast_in_dim3A_22 {strides = array<i32>} : memref<80x1024xbf16, #tpu.memory_space<vmem>>, vector<16x1024xbf16>,
    } else {
    }
    %get3A = arith.constant 0 : index
    %get3A_2 = arith.constant 0 : index
    %get3A_3 = arith.constant 0 : index
    %get3A_4 = vector.load %arg1[%get3A, %get3A_2, %get3A_3] : memref<1x64x1024xf32, #tpu.memory_space<vmem>>, vector<1x64x1024xf32>
    %get3A_5 = vector.shape_cast %get3A_4 : vector<1x64x1024xf32> to vector<64x1024xf32>
    %convert_element_type3A_6 = arith.truncf %get3A_5 : vector<64x1024xf32> to vector<64x1024xbf16>
    %swap3A = arith.constant 0 : index
    %swap3A_7 = arith.constant 0 : index
    %swap3A_8 = vector.load %arg4[%swap3A, %swap3A_7] : memref<80x1024xbf16, #tpu.memory_space<vmem>>, vector<64x1024xbf16>
    tpu.vector_store %arg4[%swap3A, %swap3A_7], %convert_element_type3A_6 {strides = array<i32>} : memref<80x1024xbf16, #tpu.memory_space<vmem>>, vector<64x1024xbf16>,
    %get3A_9 = arith.constant 0 : index
    %get3A_10 = arith.constant 0 : index
    %get3A_11 = vector.load %arg2[%get3A_9, %get3A_10] : memref<8192x80xbf16, #tpu.memory_space<vmem>>, vector<8192x80xbf16>
    %get3A_12 = arith.constant 0 : index
    %get3A_13 = arith.constant 0 : index
    %get3A_14 = vector.load %arg4[%get3A_12, %get3A_13] : memref<80x1024xbf16, #tpu.memory_space<vmem>>, vector<80x1024xbf16>
    %dot_general3A = arith.constant dense<0.000000e+00> : vector<8192x1024xf32>
    %dot_general3A_15 = tpu.matmul %get3A_11, %get3A_14, %dot_general3A {dimension_numbers = #tpu.dot_dimension_numbers<[1], [0], [0], [1], [0, 0, 1, 1], [], []>, transpose_lhs_hint = false} : vector<8192x80xbf16>, vector<80x1024xbf16>, vector<8192x1024xf32> -> vector<8192x1024xf32>
    %argmin3A = tpu.reduce_index %dot_general3A_15 {axis = 0 : i32, kind = #tpu.reduction_kind<arg_min>} : vector<8192x1024xf32> -> vector<1024xi32>
    %swap3A_16 = arith.constant 0 : index
    %swap3A_17 = arith.constant 0 : index
    %swap3A_18 = arith.constant 0 : index
    %swap3A_19 = vector.load %arg3[%swap3A_16, %swap3A_17, %swap3A_18] : memref<1x1x1024xi32, #tpu.memory_space<vmem>>, vector<1x1x1024xi32>
    %swap3A_20 = vector.shape_cast %swap3A_19 : vector<1x1x1024xi32> to vector<1024xi32>
    %swap3A_21 = vector.shape_cast %argmin3A : vector<1024xi32> to vector<1x1x1024xi32>
    tpu.vector_store %arg3[%swap3A_16, %swap3A_17, %swap3A_18], %swap3A_21 {strides = array<i32>} : memref<1x1x1024xi32, #tpu.memory_space<vmem>>, vector<1x1x1024xi32>,
    return
  }
  func.func @transform_0(%arg0: i32) -> (i32, i32, i32) {
    %jit3A = arith.constant 8 : i32
    %div3A = arith.divsi %arg0, %jit3A : i32
    %sign3A = arith.constant 0 : i32
    %sign3A_0 = arith.cmpi sgt, %arg0, %sign3A : i32
    %sign3A_1 = arith.extui %sign3A_0 : i1 to i32
    %sign3A_2 = arith.constant 0 : i32
    %sign3A_3 = arith.cmpi slt, %arg0, %sign3A_2 : i32
    %sign3A_4 = arith.extui %sign3A_3 : i1 to i32
    %sign3A_5 = arith.subi %sign3A_1, %sign3A_4 : i32
    %sign3A_6 = arith.constant 0 : i32
    %sign3A_7 = arith.cmpi sgt, %jit3A, %sign3A_6 : i32
    %sign3A_8 = arith.extui %sign3A_7 : i1 to i32
    %sign3A_9 = arith.constant 0 : i32
    %sign3A_10 = arith.cmpi slt, %jit3A, %sign3A_9 : i32
    %sign3A_11 = arith.extui %sign3A_10 : i1 to i32
    %sign3A_12 = arith.subi %sign3A_8, %sign3A_11 : i32
    %ne3A = arith.cmpi ne, %sign3A_5, %sign3A_12 : i32
    %rem3A = arith.remsi %arg0, %jit3A : i32
    %ne3A_13 = arith.constant 0 : i32
    %ne3A_14 = arith.cmpi ne, %rem3A, %ne3A_13 : i32
    %and3A = arith.andi %ne3A, %ne3A_14 : i1
    %sub3A = arith.constant 1 : i32
    %sub3A_15 = arith.subi %div3A, %sub3A : i32
    %select_n3A = arith.select %and3A, %sub3A_15, %div3A : i32
    %jit3A_16 = arith.constant 8 : i32
    %eq3A = arith.constant 0 : i32
    %eq3A_17 = arith.cmpi eq, %jit3A_16, %eq3A : i32
    %jit3A_18 = arith.constant 1 : i32
    %select_n3A_19 = arith.select %eq3A_17, %jit3A_18, %jit3A_16 : i32
    %rem3A_20 = arith.remsi %arg0, %select_n3A_19 : i32
    %ne3A_21 = arith.constant 0 : i32
    %ne3A_22 = arith.cmpi ne, %rem3A_20, %ne3A_21 : i32
    %lt3A = arith.constant 0 : i32
    %lt3A_23 = arith.cmpi slt, %rem3A_20, %lt3A : i32
    %lt3A_24 = arith.constant 0 : i32
    %lt3A_25 = arith.cmpi slt, %select_n3A_19, %lt3A_24 : i32
    %ne3A_26 = arith.xori %lt3A_23, %lt3A_25 : i1
    %and3A_27 = arith.andi %ne3A_26, %ne3A_22 : i1
    %add3A = arith.addi %rem3A_20, %select_n3A_19 : i32
    %select_n3A_28 = arith.select %and3A_27, %add3A, %rem3A_20 : i32
    %c0_i32 = arith.constant 0 : i32
    %c0_i32_29 = arith.constant 0 : i32
    return %select_n3A, %c0_i32, %select_n3A_28 : i32, i32, i32
  }
  func.func @transform_1(%arg0: i32) -> (i32, i32) {
    %c0_i32 = arith.constant 0 : i32
    %c0_i32_0 = arith.constant 0 : i32
    %c0_i32_1 = arith.constant 0 : i32
    return %c0_i32, %c0_i32_0 : i32, i32
  }
  func.func @transform_2(%arg0: i32) -> (i32, i32, i32) {
    %c0_i32 = arith.constant 0 : i32
    %c0_i32_0 = arith.constant 0 : i32
    %c0_i32_1 = arith.constant 0 : i32
    return %arg0, %c0_i32, %c0_i32_0 : i32, i32, i32
  }
}

</mosaic_0001>

<sc_bundles>
// kernel: kernel.5.cloned.1.call-start
scs
__scs_entry_jumppad:
0x0: {  	(pc) =	sbr.rel $0x88, $3  }
0x1: {  	(tag) =	ssettag $0x0;
	lr =	simm.s32 $0x1  }
0x2: {  	[smem:$0x3F9F] =	sst lr;
	_ =	strace $0xD0000000  }
0x3: {  	_ = 	snop  }
0x4: {  	_ = 	snop  }
0x5: {  	_ = 	snop  }
0x6: {  	_ = 	snop  }
0x7: {  	_ = 	snop  }
__scs_overlays_trampoline_lowered:
0x8: {  	[smem:$0x3FAE] =	sst s0  }
0x9: {  	[smem:$0x3FAF] =	sst s1  }
0xa: {  	[smem:$0x3FB0] =	sst s2  }
0xb: {  	[smem:$0x3FB1] =	sst s3  }
0xc: {  	[smem:$0x3FB2] =	sst s4  }
0xd: {  	[smem:$0x3FB3] =	sst s5  }
0xe: {  	[smem:$0x3FB4] =	sst s6  }
0xf: {  	[smem:$0x3FB5] =	sst s7  }
0x10: {  	[smem:$0x3FB6] =	sst s8  }
0x11: {  	[smem:$0x3FB7] =	sst s9;
	s0 =	simm.s32 @!p0 $0x0  }
0x12: {  	s1 =	sld [smem:$0x3F9D];
	s0 =	simm.s32 @p0 $0x1  }
0x13: {  	[smem:$0x3FB8] =	sst s0;
	s0 =	simm.s32 @!p1 $0x0  }
0x14: {  	s2 =	sld [smem:$0x3F9C];
	s0 =	simm.s32 @p1 $0x1  }
0x15: {  	[smem:$0x3FB9] =	sst s0;
	s0 =	simm.s32 @!p2 $0x0  }
0x16: {  	s3 =	sld [smem:$0x3FDB];
	s0 =	simm.s32 @p2 $0x1  }
0x17: {  	s4 =	simm.s32 $0x1BF5;
	[smem:$0x3FBB] =	sst s0  }
0x18: {  	s0 =	sld [smem:$0x3F9E];
	_ =	swait.ge [sflag:s4], $0x0  }
0x19: {  	s7 =	sld [smem:$0x3F9F]  }
0x1a: {  	s8 =	sadd.s32 $0xFFFFE003, lr  }
0x1b: {  	s9 =	sadd.s32 $0xFFFFFEF7, lr;
	s5 =	simm.s32 $0xFFFFFFFF;
	p2 =	slt.u32 s8, $0xFFFFF086  }
0x1c: {  	p1 =	slt.u32 s9, $0xF7A;
	s5 =	simm.s32 @!p2 $0x0  }
0x1d: {  	s5 =	simm.s32 @p1 $0x1;
	p0 =	seq.s32 s7, s2  }
0x1e: {  	s7 =	smul.u32 @!p0 $0xF7A, s2;
	p2 =	seq.s32 @!p0 s5, $0x0  }
0x1f: {  	s9 =	smul.u32 $0xF7A, s1;
	s8 =	simm.s32 @!p0 $0x1BF5;
	p2 =	por !p2, p0  }
0x20: {  	[sflag:s8] =	ssyncset.s32 @!p0 $0xFFFFF086;
	s6 =	sadd.s32 @!p0 s3, s7;
	s7 =	simm.s32 @!p0 $0x108  }
0x21: {  	s3 =	sadd.s32 s3, s9;
	s6 =	sadd.s32 @!p0 $0x88, s6;
	s7 =	simm.s32 @p2 $0x1082  }
0x22: {  	[simem:s7], [sflag:s8] =	dma.local @!p0 [hbm:s6], $0xF7A  }
0x23: {  	s9 =	sor.u32 $0xD0000000, s2;
	s6 =	simm.s32 $0x108;
	_ =	swait.ge @!p0 [sflag:s8], $0x0  }
0x24: {  	s3 =	sadd.s32 $0x88, s3;
	s6 =	simm.s32 @!p1 $0x1082;
	[sflag:s4] =	ssyncset.s32 $0xFFFFF086  }
0x25: {  	[simem:s6], [sflag:s4] =	dma.local [hbm:s3], $0xF7A  }
0x26: {  	[smem:$0x3F9F] =	sst s1;
	(tag) =	ssettag s2;
	_ =	strace s9  }
0x27: {  	s1 =	sld [smem:$0x3FAF]  }
0x28: {  	s2 =	sld [smem:$0x3FB0]  }
0x29: {  	s4 =	sld [smem:$0x3FB2]  }
0x2a: {  	p0 =	seq.s32 s5, $0x0;
	s5 =	sld [smem:$0x3FB3]  }
0x2b: {  	s6 =	sld [smem:$0x3FB4]  }
0x2c: {  	s7 =	sld [smem:$0x3FB5]  }
0x2d: {  	s3 =	simm.s32 $0x108;
	s8 =	sld [smem:$0x3FB6]  }
0x2e: {  	s3 =	simm.s32 @!p0 $0x1082;
	s9 =	sld [smem:$0x3FB7]  }
0x2f: {  	lr =	sadd.s32 s0, s3;
	s0 =	sld [smem:$0x3FAE]  }
0x30: {  	s3 =	sld [smem:$0x3FB1]  }
0x31: {  	[smem:$0x3FBA] =	sst s10  }
0x32: {  	s10 =	sld [smem:$0x3FB8];
	_ =	sdelay $0x3  }
0x33: {  	p0 =	seq.s32 s10, $0x1;
	s10 =	sld [smem:$0x3FBA];
	_ =	sdelay $0x3  }
0x34: {  	[smem:$0x3FBA] =	sst s10  }
0x35: {  	s10 =	sld [smem:$0x3FB9];
	_ =	sdelay $0x3  }
0x36: {  	p1 =	seq.s32 s10, $0x1;
	s10 =	sld [smem:$0x3FBA];
	_ =	sdelay $0x3  }
0x37: {  	[smem:$0x3FBA] =	sst s10  }
0x38: {  	s10 =	sld [smem:$0x3FBB]  }
0x39: {  	_ = 	snop;
	(pc) =	sbr.ind lr, $3  }
0x3a: {  	_ = 	snop  }
0x3b: {  	_ = 	snop  }
0x3c: {  	p2 =	seq.s32 s10, $0x1;
	s10 =	sld [smem:$0x3FBA]  }
0x3d: {  	_ =	shalt  }
0x3e: {  	_ =	shalt  }
0x3f: {  	_ =	shalt  }
0x40: {  	_ =	shalt  }
0x41: {  	_ =	shalt  }
0x42: {  	_ =	shalt  }
0x43: {  	_ =	shalt  }
0x44: {  	_ =	shalt  }
0x45: {  	_ =	shalt  }
0x46: {  	_ =	shalt  }
0x47: {  	_ =	shalt  }
0x48: {  	_ =	shalt  }
0x49: {  	_ =	shalt  }
0x4a: {  	_ =	shalt  }
0x4b: {  	_ =	shalt  }
0x4c: {  	_ =	shalt  }
0x4d: {  	_ =	shalt  }
0x4e: {  	_ =	shalt  }
0x4f: {  	_ =	shalt  }
0x50: {  	_ =	shalt  }
0x51: {  	_ =	shalt  }
0x52: {  	_ =	shalt  }
0x53: {  	_ =	shalt  }
0x54: {  	_ =	shalt  }
0x55: {  	_ =	shalt  }
0x56: {  	_ =	shalt  }
0x57: {  	_ =	shalt  }
0x58: {  	_ =	shalt  }
0x59: {  	_ =	shalt  }
0x5a: {  	_ =	shalt  }
0x5b: {  	_ =	shalt  }
0x5c: {  	_ =	shalt  }
0x5d: {  	_ =	shalt  }
0x5e: {  	_ =	shalt  }
0x5f: {  	_ =	shalt  }
0x60: {  	_ =	shalt  }
0x61: {  	_ =	shalt  }
0x62: {  	_ =	shalt  }
0x63: {  	_ =	shalt  }
0x64: {  	_ =	shalt  }
0x65: {  	_ =	shalt  }
0x66: {  	_ =	shalt  }
0x67: {  	_ =	shalt  }
0x68: {  	_ =	shalt  }
0x69: {  	_ =	shalt  }
0x6a: {  	_ =	shalt  }
0x6b: {  	_ =	shalt  }
0x6c: {  	_ =	shalt  }
0x6d: {  	_ =	shalt  }
0x6e: {  	_ =	shalt  }
0x6f: {  	_ =	shalt  }
0x70: {  	_ =	shalt  }
0x71: {  	_ =	shalt  }
0x72: {  	_ =	shalt  }
0x73: {  	_ =	shalt  }
0x74: {  	_ =	shalt  }
0x75: {  	_ =	shalt  }
0x76: {  	_ =	shalt  }
0x77: {  	_ =	shalt  }
0x78: {  	_ =	shalt  }
0x79: {  	_ =	shalt  }
0x7a: {  	_ =	shalt  }
0x7b: {  	_ =	shalt  }
0x7c: {  	_ =	shalt  }
0x7d: {  	_ =	shalt  }
0x7e: {  	_ =	shalt  }
0x7f: {  	_ =	shalt  }
0x80: {  	_ =	shalt  }
0x81: {  	_ =	shalt  }
0x82: {  	_ =	shalt  }
0x83: {  	_ =	shalt  }
0x84: {  	_ =	shalt  }
0x85: {  	_ =	shalt  }
0x86: {  	_ =	shalt  }
0x87: {  	_ =	shalt  }
.Lfunc_end0:
.L_simem_size_0:
called_computation_lowered:
.L_overlay_start_0:
0x88: {  	s2 =	sld [smem:$0x3FD9]  }
0x89: {  	s3 =	sld [smem:$0x3FFE];
	_ =	sdelay $0x1  }
0x8a: {  	s1 =	srdreg.scid  }
0x8b: {  	s0 =	sand.u32 $0x1, s1  }
0x8c: {  	s14 =	sshll.u32 s0, $0xA;
	s2 =	sadd.s32 s3, s2  }
0x8d: {  	s2 =	sadd.s32 s2, s14  }
0x8e: {  	[smem:$0x3FC6] =	sst s2  }
0x8f: {  	_ = 	snop  }
0x90: {  	s2 =	sld [smem:$0x3FD0];
	_ =	sdelay $0x2  }
0x91: {  	s15 =	simm.s32 $0xA;
	s4 =	simm.s32 $0x10  }
0x92: {  	[smem:s4], [sflag:s15] =	dma.local [hbm:s2], $0x1  }
0x93: {  	_ =	swait.eq [sflag:s15], $0x1  }
0x94: {  	[sflag:s15] =	ssyncset.done $0x0  }
0x95: {  	s16 =	sld [smem:$0x10];
	[sflag:s15] =	ssyncadd.s32 $0xFFFFFFFF  }
0x96: {  	s17 =	sld [smem:$0x15];
	(tm) =	ssettm $0x1  }
0x97: {  	s18 =	sld [smem:$0x3FFB];
	_ =	sdelay $0x3  }
0x98: {  	_ =	strace s18  }
0x99: {  	s4 =	sld [smem:$0x3FFC];
	_ =	sdelay $0x3  }
0x9a: {  	_ =	strace s4  }
0x9b: {  	s4 =	sld [smem:$0x3FFD];
	_ =	sdelay $0x3  }
0x9c: {  	_ =	strace s4  }
0x9d: {  	_ =	strace $0x8FFFFFFF  }
0x9e: {  	s19 =	sld [smem:$0x3FDB];
	_ =	sdelay $0x1  }
0x9f: {  	s5 =	simm.s32 $_scs_section_size  }
0xa0: {  	s6 =	simm.s32 $_size__tile_overlayer_lowered;
	s7 =	simm.s32 $_tile_overlayer_lowered  }
0xa1: {  	s22 =	simm.s32 $0x1BFF;
	s21 =	sshll.u32 s7, $0x1;
	s4 =	sadd.s32 s5, s19  }
0xa2: {  	s8 =	simm.s32 $0x0;
	s20 =	sshll.u32 s6, $0x1;
	s6 =	sadd.s32 s21, s4  }
0xa3: {  	[timem:s8], [sflag:s22] =	dma.local [hbm:s6], s20  }
0xa4: {  	_ =	swait.ge [sflag:s22], s20  }
0xa5: {  	s5 =	ssub.s32 $0x0, s20;
	[sflag:s22] =	ssyncset.done $0x0  }
0xa6: {  	[sflag:s22] =	ssyncadd.s32 s5;
	_ =	sdelay $0x1  }
0xa7: {  	s23 =	simm.s32 $0x1B8B  }
0xa8: {  	_ =	swait.ge [sflag:s23], $0x1  }
0xa9: {  	[sflag:s23] =	ssyncset.done $0x0  }
0xaa: {  	s25 =	simm.s32 $0x1B8E;
	s24 =	sld [smem:$0x3FFE];
	[sflag:s23] =	ssyncadd.s32 $0xFFFFFFFF  }
0xab: {  	s26 =	simm.s32 $execute0_lowered;
	[smem:$0x3FD2] =	sst s25  }
0xac: {  	s6 =	sshll.u32 s26, $0x1;
	_ =	strace $0x80000046;
	[dreg:$0x1] =	wrdreg $0xFFFFFFFF  }
0xad: {  	s28 =	simm.s32 $_size_execute0_lowered;
	s4 =	sadd.s32 s4, s6;
	[dreg:$0x0] =	wrdreg $0x0  }
0xae: {  	s6 =	sshll.u32 s28, $0x1;
	[dreg:$0x2] =	wrdreg s4  }
0xaf: {  	[dreg:$0x3] =	wrdreg s6  }
0xb0: {  	[dreg:$0x4] =	wrdreg $0xC0  }
0xb1: {  	_ =	task [dreg:s8], $0x5FFFF  }
0xb2: {  	[dreg:$0x1] =	wrdreg $0xFFFFFFFF  }
0xb3: {  	[dreg:$0x0] =	wrdreg $0x60  }
0xb4: {  	[dreg:$0x2] =	wrdreg s24  }
0xb5: {  	[dreg:$0x3] =	wrdreg s17  }
0xb6: {  	[dreg:$0x4] =	wrdreg s16  }
0xb7: {  	[dreg:$0x5] =	wrdreg $0x9  }
0xb8: {  	_ =	task.clear_ibuf [dreg:s8], $0x6FFFF;
	_ =	strace $0x90000046  }
0xb9: {  	s29 =	simm.s32 $0x9;
	_ =	strace $0x80000048  }
0xba: {  	_ =	swait.ge [sflag:s29], $0x1  }
0xbb: {  	[sflag:s29] =	ssyncadd.s32 $0xFFFFFFFF  }
0xbc: {  	_ =	strace $0x90000048  }
0xbd: {  	_ =	sfence  }
0xbe: {  	s30 =	sld [smem:$0x0];
	_ =	sdelay $0x2  }
0xbf: {  	s31 =	sshll.u32 s1, $0xD;
	s1 =	sshrl.u32 s1, $0x2  }
0xc0: {  	s3 =	sand.u32 $0x4000, s31;
	s1 =	sadd.s32 s1, s30  }
0xc1: {  	s0 =	sor.u32 s3, s0;
	s1 =	sshll.u32 s1, $0x11  }
0xc2: {  	s0 =	sor.u32 s1, s0  }
0xc3: {  	s0 =	sadd.s32 $0x8F2B, s0  }
0xc4: {  	[sflag:s0] =	ssyncadd.remote.s32 $0x1  }
0xc5: {  	_ =	sfence.sel $0xFFFF  }
0xc6: {  	[dreg:$0x0] =	wrdreg $0xFFFFFFFF;
	(pc) =	sbr.abs _section_cstart, $3  }
0xc7: {  	[dreg:$0x1] =	wrdreg $0xFFFFFFFF  }
0xc8: {  	_ =	task.clear_ibuf [dreg:s8], $0x2FFFF;
	_ =	strace $0x9FFFFFFF  }
0xc9: {  	(tm) =	ssettm $0x7FFFFFFF  }
tec
execute0_lowered:
.L_overlay_start_1:
0x0: {  	(tag) =	ssettag $0x1  }
0x1: {  	s5 =	rddreg [dreg:$0x0];
	s1 =	srdreg.scid  }
0x2: {  	s9 =	rddreg [dreg:$0x1];
	s0 =	stileid.u32;
	s10 =	sand.u32 $0x1, s1  }
0x3: {  	s11 =	rddreg [dreg:$0x2];
	s3 =	sshll.u32 s0, $0xB;
	s4 =	sshll.u32 s10, $0xA  }
0x4: {  	s2 =	simm.s32 $0x0;
	s1 =	rddreg [dreg:$0x3];
	s12 =	sor.u32 s4, s3  }
0x5: {  	[smem:$0x7FF] =	sst s2;
	s3 =	sshrl.u32 s12, $0x3  }
0x6: {  	_ =	strace $0x80000047;
	s4 =	sadd.s32 s9, s3;
	s3 =	simm.s32 $0x2  }
0x7: {  	[tilespmem:s2], [sflag:$0x2] =	stream.linear.gather [hbm4b:s4+s2], $0x200, $0x38;
	[tilespmem:$0x10200] =	vst v63  }
0x8: {  	_ =	swait.ge [sflag:s3], $0x200  }
0x9: {  	s6 =	simm.s32 $0x200;
	[sflag:s3] =	ssyncset.done $0x0  }
0xa: {  	s7 =	simm.s32 $0x1;
	s5 =	sadd.s32 $0x400, s5;
	[sflag:s3] =	ssyncadd.s32 $0xFFFFFE00  }
0xb: {  	[tilespmem:s6], [sflag:$0x1] =	stream.indirect.gather [hbm4b:s5+s6], $0x80, s2, s6, $0xb8;
	[tilespmem:$0x10200] =	vst v63  }
0xc: {  	_ =	swait.ge [sflag:s7], $0x10000  }
0xd: {  	s8 =	sshll.u32 s12, $0x4;
	[sflag:s7] =	ssyncset.done $0x0  }
0xe: {  	s8 =	sadd.s32 s11, s8;
	[sflag:s7] =	ssyncadd.s32 $0xFFFF0000  }
0xf: {  	[hbm4b:s8+s2] =	stream.linear.scatter [tilespmem:s6], [sflag:$0x2], $0x10000, $0x38;
	[tilespmem:$0x10200] =	vst v63  }
0x10: {  	s12 =	sor.u32 $0x200, s12;
	_ =	swait.ge [sflag:s3], $0x10000  }
0x11: {  	s13 =	sshrl.u32 s12, $0x3;
	[sflag:s3] =	ssyncset.done $0x0  }
0x12: {  	s10 =	ssub.s32 $0x2, s10;
	s9 =	sadd.s32 s9, s13;
	[sflag:s3] =	ssyncadd.s32 $0xFFFF0000  }
0x13: {  	[tilespmem:s2], [sflag:$0x2] =	stream.linear.gather [hbm4b:s9+s2], $0x200, $0x38;
	[tilespmem:$0x10200] =	vst v63  }
0x14: {  	s29 =	sshrl.u32 s10, $0x1;
	_ =	swait.ge [sflag:s3], $0x200  }
0x15: {  	s13 =	ssub.s32 s10, s29;
	[sflag:s3] =	ssyncset.done $0x0  }
0x16: {  	s31 =	smax.u32 s13, $0x1;
	[sflag:s3] =	ssyncadd.s32 $0xFFFFFE00  }
0x17: {  	[tilespmem:s6], [sflag:$0x1] =	stream.indirect.gather [hbm4b:s5+s6], $0x80, s2, s6, $0xb8;
	[tilespmem:$0x10200] =	vst v63  }
0x18: {  	p0 =	sne.s32 s31, $0x1;
	_ =	swait.ge [sflag:s7], $0x10000  }
.Ltmp0:
0x19: {  	s30 =	sshll.u32 s12, $0x4;
	[sflag:s7] =	ssyncset.done $0x0;
	(pc) =	sbr.rel @!p0 .LBB2_2-.Ltmp0, $4  }
0x1a: {  	s10 =	sadd.s32 s11, s30;
	[sflag:s7] =	ssyncadd.s32 $0xFFFF0000  }
0x1b: {  	[hbm4b:s10+s2] =	stream.linear.scatter [tilespmem:s6], [sflag:$0x2], $0x10000, $0x38;
	[tilespmem:$0x10200] =	vst v63  }
0x1c: {  	_ =	swait.ge [sflag:s3], $0x10000  }
0x1d: {  	s11 =	sadd.s32 $0xFFFFFFFF, s31;
	[sflag:s3] =	ssyncset.done $0x0  }
.LBB2_1:
0x1e: {  	p0 =	sne.s32 s11, $0x1;
	s11 =	sadd.s32 $0xFFFFFFFF, s11;
	[sflag:s3] =	ssyncadd.s32 $0xFFFF0000  }
0x1f: {  	[tilespmem:s2], [sflag:$0x2] =	stream.linear.gather [hbm4b:s4+s2], $0x200, $0x38;
	[tilespmem:$0x10200] =	vst v63  }
0x20: {  	_ =	swait.ge [sflag:s3], $0x200  }
0x21: {  	[sflag:s3] =	ssyncset.done $0x0  }
0x22: {  	[sflag:s3] =	ssyncadd.s32 $0xFFFFFE00  }
0x23: {  	[tilespmem:s6], [sflag:$0x1] =	stream.indirect.gather [hbm4b:s5+s6], $0x80, s2, s6, $0xb8;
	[tilespmem:$0x10200] =	vst v63  }
0x24: {  	_ =	swait.ge [sflag:s7], $0x10000  }
0x25: {  	[sflag:s7] =	ssyncset.done $0x0  }
0x26: {  	[sflag:s7] =	ssyncadd.s32 $0xFFFF0000  }
0x27: {  	[hbm4b:s8+s2] =	stream.linear.scatter [tilespmem:s6], [sflag:$0x2], $0x10000, $0x38;
	[tilespmem:$0x10200] =	vst v63  }
0x28: {  	_ =	swait.ge [sflag:s3], $0x10000  }
0x29: {  	[sflag:s3] =	ssyncset.done $0x0  }
0x2a: {  	[sflag:s3] =	ssyncadd.s32 $0xFFFF0000  }
0x2b: {  	[tilespmem:s2], [sflag:$0x2] =	stream.linear.gather [hbm4b:s9+s2], $0x200, $0x38;
	[tilespmem:$0x10200] =	vst v63  }
0x2c: {  	_ =	swait.ge [sflag:s3], $0x200  }
0x2d: {  	[sflag:s3] =	ssyncset.done $0x0  }
0x2e: {  	[sflag:s3] =	ssyncadd.s32 $0xFFFFFE00  }
0x2f: {  	[tilespmem:s6], [sflag:$0x1] =	stream.indirect.gather [hbm4b:s5+s6], $0x80, s2, s6, $0xb8;
	[tilespmem:$0x10200] =	vst v63  }
0x30: {  	_ =	swait.ge [sflag:s7], $0x10000  }
.Ltmp1:
0x31: {  	[sflag:s7] =	ssyncset.done $0x0;
	(pc) =	sbr.rel @p0 .LBB2_1-.Ltmp1, $4  }
0x32: {  	[sflag:s7] =	ssyncadd.s32 $0xFFFF0000  }
0x33: {  	[hbm4b:s10+s2] =	stream.linear.scatter [tilespmem:s6], [sflag:$0x2], $0x10000, $0x38;
	[tilespmem:$0x10200] =	vst v63  }
0x34: {  	_ =	swait.ge [sflag:s3], $0x10000  }
0x35: {  	[sflag:s3] =	ssyncset.done $0x0  }
.LBB2_2:
0x36: {  	[sflag:s3] =	ssyncadd.s32 $0xFFFF0000  }
0x37: {  	_ =	sfence.sel $0x180000  }
0x38: {  	[bflag:$0x0] =	sbarrier.arrive $0xFFFF  }
0x39: {  	p0 =	sne.s32 s0, $0x0;
	_ =	strace $0x90000047  }
0x3a: {  	s0 =	sadd.s32 @!p0 $0x100000, s1;
	[bflag:$0x2] =	sbarrier.arrive $0xFFFF  }
0x3b: {  	[sflag:s0] =	ssyncadd.tile.s32 @!p0 $0x1;
	_ =	shalt  }
.Lfunc_end2:
_tile_overlayer_lowered:
.L_overlay_start_2:
0x3c: {  	(tag) =	ssettag $0x2  }
0x3d: {  	s0 =	rddreg [dreg:$0x0];
	s2 =	stileid.u32  }
0x3e: {  	s1 =	rddreg [dreg:$0x1];
	p0 =	sne.s32 s2, $0x0  }
0x3f: {  	s3 =	rddreg [dreg:$0x2];
	[bflag:$0x3] =	sbarrier.arrive $0xFFFF;
	s2 =	simm.s32 @!p0 $0x1C02  }
0x40: {  	[timem:s3], [sflag:s2] =	dma.local @!p0 [hbm:s0], s1  }
0x41: {  	s0 =	simm.s32 @!p0 $0x2  }
0x42: {  	_ =	swait.ge @!p0 [sflag:s0], s1  }
0x43: {  	s1 =	ssub.s32 @!p0 $0x0, s1;
	[sflag:s0] =	ssyncset.done @!p0 $0x0  }
0x44: {  	[sflag:s0] =	ssyncadd.s32 @!p0 s1  }
0x45: {  	[bflag:$0x3] =	sbarrier.arrive $0xFFFF  }
0x46: {  	_ =	shalt  }

</sc_bundles>
